<compile_context>
chip_gen: v7x
topology: tpu7x:2x2x1
jax: 0.10.2.dev20260603
libtpu: 0.0.44.dev20260713+nightly
codegen_flags: <defaults>
</compile_context>

<pallas_src>
import functools

import jax
import jax.numpy as jnp
from jax import lax
from jax.experimental import pallas as pl
from jax.experimental.pallas import tpu as pltpu
from jax.experimental.pallas import tpu_sc as plsc

_info = plsc.get_sparse_core_info()
_NC, _NS, _L = _info.num_cores, _info.num_subcores, _info.num_lanes
_NW = _NC * _NS

_D = 1024
_R = 4 * 8192
_RE = 8192
_ROWS_PER_TILE = _R // _NW
_CR = 16
_N_CHUNKS = _ROWS_PER_TILE // _CR
_N_PAIRS = _N_CHUNKS // 2

_mesh = plsc.VectorSubcoreMesh(core_axis_name="c", subcore_axis_name="s")


def _vadd_chunk(xbuf, ebuf):
    @plsc.parallel_loop(0, _CR, 1, unroll=2)
    def _(r):
        for j in range(_D // _L):
            s = pl.ds(j * _L, _L)
            xbuf[r, s] = xbuf[r, s] + ebuf[r, s]


@functools.partial(
    pl.kernel,
    mesh=_mesh,
    compiler_params=pltpu.CompilerParams(use_tc_tiling_on_sc=True),
    out_type=jax.ShapeDtypeStruct((_R, _D), jnp.float32),
    scratch_types=[
        pltpu.VMEM((_CR, _D), jnp.float32),
        pltpu.VMEM((_CR, _D), jnp.float32),
        pltpu.VMEM((_CR, _D), jnp.float32),
        pltpu.VMEM((_CR, _D), jnp.float32),
        pltpu.SemaphoreType.DMA,
        pltpu.SemaphoreType.DMA,
        pltpu.SemaphoreType.DMA,
        pltpu.SemaphoreType.DMA,
    ],
)
def _sc_add(x_hbm, emb_hbm, out_hbm, x0, e0, x1, e1, semi0, semi1, semo0, semo1):
    wid = lax.axis_index("s") * _NC + lax.axis_index("c")
    base = wid * _ROWS_PER_TILE
    emb_base = lax.rem(base, _RE)

    def _start_in(c, xbuf, ebuf, sem):
        pltpu.async_copy(x_hbm.at[pl.ds(base + c * _CR, _CR)], xbuf, sem)
        pltpu.async_copy(emb_hbm.at[pl.ds(emb_base + c * _CR, _CR)], ebuf, sem)

    def _wait_in(xbuf, ebuf, sem):
        pltpu.make_async_copy(x_hbm.at[pl.ds(base, _CR)], xbuf, sem).wait()
        pltpu.make_async_copy(x_hbm.at[pl.ds(base, _CR)], ebuf, sem).wait()

    def _start_out(c, xbuf, sem):
        pltpu.async_copy(xbuf, out_hbm.at[pl.ds(base + c * _CR, _CR)], sem)

    def _wait_out(xbuf, sem):
        pltpu.make_async_copy(xbuf, out_hbm.at[pl.ds(base, _CR)], sem).wait()

    _start_in(0, x0, e0, semi0)

    def pair_body(g, _):
        c0 = 2 * g
        c1 = c0 + 1

        @pl.when(g > 0)
        def _():
            _wait_out(x1, semo1)

        _start_in(c1, x1, e1, semi1)

        _wait_in(x0, e0, semi0)
        _start_out(c0, x0, semo0)

        _wait_in(x1, e1, semi1)
        _start_out(c1, x1, semo1)

        @pl.when(g < _N_PAIRS - 1)
        def _():
            _wait_out(x0, semo0)
            _start_in(c0 + 2, x0, e0, semi0)

        return 0

    lax.fori_loop(0, _N_PAIRS, pair_body, 0)

    _wait_out(x0, semo0)
    _wait_out(x1, semo1)


def kernel(x, rank_emb):
    B, T, D = x.shape
    out = _sc_add(x.reshape(B * T, D), rank_emb)
    return out.reshape(B, T, D)

# --- scband reference (transcript-rebuilt; emitter-appended) ---
"""Pipeline reference for scband-positional-encoding-81879256531539 (READ-ONLY COPY).

The authoritative reference and input builder live on the scoring server;
editing this copy changes nothing except your own understanding.
"""

import jax, jax.numpy as jnp
import numpy as np


def setup_inputs(seed: int = 0) -> dict:
    key = jax.random.key(seed)
    k1, k2 = jax.random.split(key)
    x = jax.random.normal(k1, (4, 8192, 1024), dtype=jnp.float32)
    # learned positional embedding table, init std=0.02 like nn.init.normal_
    rank_emb = jax.random.normal(k2, (8192, 1024), dtype=jnp.float32) * 0.02
    return {"x": x, "rank_emb": rank_emb}


def reference(x, rank_emb):
    B, T, D = x.shape
    idx = jnp.broadcast_to(jnp.arange(T, dtype=jnp.int32)[None, :], (B, T))
    pos = jnp.take(rank_emb, idx, axis=0)  # [B, T, D] embedding gather
    return x + pos

if __name__ == "__main__":
    import jax
    _d = setup_inputs()
    print(jax.jit(kernel)(*tuple(_d.values())))

</pallas_src>

<mosaic_0001>
#map = affine_map<(d0, d1) -> (0, 0)>
module attributes {stable_mosaic.version = 14 : i64} {
  func.func @_sc_add(%arg0: i32, %arg1: i32, %arg2: memref<32768x1024xf32, #tpu.memory_space<hbm>>, %arg3: memref<8192x1024xf32, #tpu.memory_space<hbm>>, %arg4: memref<32768x1024xf32, #tpu.memory_space<hbm>>, %arg5: memref<16x1024xf32, #tpu.memory_space<vmem>>, %arg6: memref<16x1024xf32, #tpu.memory_space<vmem>>, %arg7: memref<16x1024xf32, #tpu.memory_space<vmem>>, %arg8: memref<16x1024xf32, #tpu.memory_space<vmem>>, %arg9: memref<!tpu.dma_semaphore, #tpu.memory_space<semaphore_mem>>, %arg10: memref<!tpu.dma_semaphore, #tpu.memory_space<semaphore_mem>>, %arg11: memref<!tpu.dma_semaphore, #tpu.memory_space<semaphore_mem>>, %arg12: memref<!tpu.dma_semaphore, #tpu.memory_space<semaphore_mem>>) attributes {dimension_semantics = [#tpu.dimension_semantics<core_parallel>, #tpu.dimension_semantics<subcore_parallel>], iteration_bounds = array<i64: 2, 16>, scalar_prefetch = 0 : i64, scratch_operands = 8 : i64, tpu.core_type = #tpu.core_type<sc_vector_subcore>, window_params = [{transform_indices = #map}, {transform_indices = #map}, {transform_indices = #map}]} {
    %mul3A = arith.constant 2 : i32
    %mul3A_0 = arith.muli %arg1, %mul3A : i32
    %add3A = arith.addi %mul3A_0, %arg0 : i32
    %mul3A_1 = arith.constant 1024 : i32
    %mul3A_2 = arith.muli %add3A, %mul3A_1 : i32
    %rem3A = arith.constant 8192 : i32
    %rem3A_3 = arith.remsi %mul3A_2, %rem3A : i32
    %add3A_4 = arith.constant 0 : i32
    %add3A_5 = arith.addi %mul3A_2, %add3A_4 : i32
    %dma_start3A = arith.constant 0 : i32
    %dma_start3A_6 = tpu.memref_slice %arg2[%add3A_5, %dma_start3A] : memref<32768x1024xf32, #tpu.memory_space<hbm>> -> memref<16x1024xf32, #tpu.memory_space<hbm>>
    %dma_start3A_7 = arith.constant 0 : i32
    %dma_start3A_8 = tpu.memref_slice %arg2[%add3A_5, %dma_start3A_7] : memref<32768x1024xf32, #tpu.memory_space<hbm>> -> memref<16x1024xf32, #tpu.memory_space<hbm>>
    tpu.enqueue_dma source(%dma_start3A_8 : memref<16x1024xf32, #tpu.memory_space<hbm>>) target(%arg5 : memref<16x1024xf32, #tpu.memory_space<vmem>>) target_semaphore(%arg9 : memref<!tpu.dma_semaphore, #tpu.memory_space<semaphore_mem>>)
    %add3A_9 = arith.constant 0 : i32
    %add3A_10 = arith.addi %rem3A_3, %add3A_9 : i32
    %dma_start3A_11 = arith.constant 0 : i32
    %dma_start3A_12 = tpu.memref_slice %arg3[%add3A_10, %dma_start3A_11] : memref<8192x1024xf32, #tpu.memory_space<hbm>> -> memref<16x1024xf32, #tpu.memory_space<hbm>>
    %dma_start3A_13 = arith.constant 0 : i32
    %dma_start3A_14 = tpu.memref_slice %arg3[%add3A_10, %dma_start3A_13] : memref<8192x1024xf32, #tpu.memory_space<hbm>> -> memref<16x1024xf32, #tpu.memory_space<hbm>>
    tpu.enqueue_dma source(%dma_start3A_14 : memref<16x1024xf32, #tpu.memory_space<hbm>>) target(%arg6 : memref<16x1024xf32, #tpu.memory_space<vmem>>) target_semaphore(%arg9 : memref<!tpu.dma_semaphore, #tpu.memory_space<semaphore_mem>>)
    %scan3A = arith.constant 0 : i32
    %scan3A_15 = arith.constant 0 : i32
    %scan3A_16 = arith.constant 32 : i32
    %scan3A_17 = arith.addi %scan3A_15, %scan3A_16 : i32
    %scan3A_18 = arith.constant 1 : i32
    %scan3A_19 = scf.for %scan3A_28 = %scan3A_15 to %scan3A_17 step %scan3A_18 iter_args(%scan3A_29 = %scan3A) -> (i32)  : i32 {
      %mul3A_30 = arith.constant 2 : i32
      %mul3A_31 = arith.muli %mul3A_30, %scan3A_28 : i32
      %add3A_32 = arith.constant 1 : i32
      %add3A_33 = arith.addi %mul3A_31, %add3A_32 : i32
      %gt3A = arith.constant 0 : i32
      %gt3A_34 = arith.cmpi sgt, %scan3A_28, %gt3A : i32
      %convert_element_type3A = arith.extui %gt3A_34 : i1 to i32
      %cond3A = arith.constant 0 : i32
      %cond3A_35 = arith.cmpi ne, %convert_element_type3A, %cond3A : i32
      scf.if %cond3A_35 {
        %dma_wait3A_85 = arith.constant 0 : i32
        %dma_wait3A_86 = tpu.memref_slice %arg4[%mul3A_2, %dma_wait3A_85] : memref<32768x1024xf32, #tpu.memory_space<hbm>> -> memref<16x1024xf32, #tpu.memory_space<hbm>>
        %dma_wait3A_87 = arith.constant 0 : i32
        %dma_wait3A_88 = tpu.memref_slice %arg4[%mul3A_2, %dma_wait3A_87] : memref<32768x1024xf32, #tpu.memory_space<hbm>> -> memref<16x1024xf32, #tpu.memory_space<hbm>>
        tpu.wait_dma2 semaphore(%arg12 : memref<!tpu.dma_semaphore, #tpu.memory_space<semaphore_mem>>) src(%arg7 : memref<16x1024xf32, #tpu.memory_space<vmem>>) dst(%dma_wait3A_88 : memref<16x1024xf32, #tpu.memory_space<hbm>>)
      } else {
      }
      %mul3A_36 = arith.constant 16 : i32
      %mul3A_37 = arith.muli %add3A_33, %mul3A_36 : i32
      %add3A_38 = arith.addi %mul3A_2, %mul3A_37 : i32
      %dma_start3A_39 = arith.constant 0 : i32
      %dma_start3A_40 = tpu.memref_slice %arg2[%add3A_38, %dma_start3A_39] : memref<32768x1024xf32, #tpu.memory_space<hbm>> -> memref<16x1024xf32, #tpu.memory_space<hbm>>
      %dma_start3A_41 = arith.constant 0 : i32
      %dma_start3A_42 = tpu.memref_slice %arg2[%add3A_38, %dma_start3A_41] : memref<32768x1024xf32, #tpu.memory_space<hbm>> -> memref<16x1024xf32, #tpu.memory_space<hbm>>
      tpu.enqueue_dma source(%dma_start3A_42 : memref<16x1024xf32, #tpu.memory_space<hbm>>) target(%arg7 : memref<16x1024xf32, #tpu.memory_space<vmem>>) target_semaphore(%arg10 : memref<!tpu.dma_semaphore, #tpu.memory_space<semaphore_mem>>)
      %mul3A_43 = arith.constant 16 : i32
      %mul3A_44 = arith.muli %add3A_33, %mul3A_43 : i32
      %add3A_45 = arith.addi %rem3A_3, %mul3A_44 : i32
      %dma_start3A_46 = arith.constant 0 : i32
      %dma_start3A_47 = tpu.memref_slice %arg3[%add3A_45, %dma_start3A_46] : memref<8192x1024xf32, #tpu.memory_space<hbm>> -> memref<16x1024xf32, #tpu.memory_space<hbm>>
      %dma_start3A_48 = arith.constant 0 : i32
      %dma_start3A_49 = tpu.memref_slice %arg3[%add3A_45, %dma_start3A_48] : memref<8192x1024xf32, #tpu.memory_space<hbm>> -> memref<16x1024xf32, #tpu.memory_space<hbm>>
      tpu.enqueue_dma source(%dma_start3A_49 : memref<16x1024xf32, #tpu.memory_space<hbm>>) target(%arg8 : memref<16x1024xf32, #tpu.memory_space<vmem>>) target_semaphore(%arg10 : memref<!tpu.dma_semaphore, #tpu.memory_space<semaphore_mem>>)
      %dma_wait3A_50 = arith.constant 0 : i32
      %dma_wait3A_51 = tpu.memref_slice %arg2[%mul3A_2, %dma_wait3A_50] : memref<32768x1024xf32, #tpu.memory_space<hbm>> -> memref<16x1024xf32, #tpu.memory_space<hbm>>
      %dma_wait3A_52 = arith.constant 0 : i32
      %dma_wait3A_53 = tpu.memref_slice %arg2[%mul3A_2, %dma_wait3A_52] : memref<32768x1024xf32, #tpu.memory_space<hbm>> -> memref<16x1024xf32, #tpu.memory_space<hbm>>
      tpu.wait_dma2 semaphore(%arg9 : memref<!tpu.dma_semaphore, #tpu.memory_space<semaphore_mem>>) src(%dma_wait3A_53 : memref<16x1024xf32, #tpu.memory_space<hbm>>) dst(%arg5 : memref<16x1024xf32, #tpu.memory_space<vmem>>)
      %dma_wait3A_54 = arith.constant 0 : i32
      %dma_wait3A_55 = tpu.memref_slice %arg2[%mul3A_2, %dma_wait3A_54] : memref<32768x1024xf32, #tpu.memory_space<hbm>> -> memref<16x1024xf32, #tpu.memory_space<hbm>>
      %dma_wait3A_56 = arith.constant 0 : i32
      %dma_wait3A_57 = tpu.memref_slice %arg2[%mul3A_2, %dma_wait3A_56] : memref<32768x1024xf32, #tpu.memory_space<hbm>> -> memref<16x1024xf32, #tpu.memory_space<hbm>>
      tpu.wait_dma2 semaphore(%arg9 : memref<!tpu.dma_semaphore, #tpu.memory_space<semaphore_mem>>) src(%dma_wait3A_57 : memref<16x1024xf32, #tpu.memory_space<hbm>>) dst(%arg6 : memref<16x1024xf32, #tpu.memory_space<vmem>>)
      %mul3A_58 = arith.constant 16 : i32
      %mul3A_59 = arith.muli %mul3A_31, %mul3A_58 : i32
      %add3A_60 = arith.addi %mul3A_2, %mul3A_59 : i32
      %dma_start3A_61 = arith.constant 0 : i32
      %dma_start3A_62 = tpu.memref_slice %arg4[%add3A_60, %dma_start3A_61] : memref<32768x1024xf32, #tpu.memory_space<hbm>> -> memref<16x1024xf32, #tpu.memory_space<hbm>>
      %dma_start3A_63 = arith.constant 0 : i32
      %dma_start3A_64 = tpu.memref_slice %arg4[%add3A_60, %dma_start3A_63] : memref<32768x1024xf32, #tpu.memory_space<hbm>> -> memref<16x1024xf32, #tpu.memory_space<hbm>>
      tpu.enqueue_dma source(%arg5 : memref<16x1024xf32, #tpu.memory_space<vmem>>) target(%dma_start3A_64 : memref<16x1024xf32, #tpu.memory_space<hbm>>) target_semaphore(%arg11 : memref<!tpu.dma_semaphore, #tpu.memory_space<semaphore_mem>>)
      %dma_wait3A_65 = arith.constant 0 : i32
      %dma_wait3A_66 = tpu.memref_slice %arg2[%mul3A_2, %dma_wait3A_65] : memref<32768x1024xf32, #tpu.memory_space<hbm>> -> memref<16x1024xf32, #tpu.memory_space<hbm>>
      %dma_wait3A_67 = arith.constant 0 : i32
      %dma_wait3A_68 = tpu.memref_slice %arg2[%mul3A_2, %dma_wait3A_67] : memref<32768x1024xf32, #tpu.memory_space<hbm>> -> memref<16x1024xf32, #tpu.memory_space<hbm>>
      tpu.wait_dma2 semaphore(%arg10 : memref<!tpu.dma_semaphore, #tpu.memory_space<semaphore_mem>>) src(%dma_wait3A_68 : memref<16x1024xf32, #tpu.memory_space<hbm>>) dst(%arg7 : memref<16x1024xf32, #tpu.memory_space<vmem>>)
      %dma_wait3A_69 = arith.constant 0 : i32
      %dma_wait3A_70 = tpu.memref_slice %arg2[%mul3A_2, %dma_wait3A_69] : memref<32768x1024xf32, #tpu.memory_space<hbm>> -> memref<16x1024xf32, #tpu.memory_space<hbm>>
      %dma_wait3A_71 = arith.constant 0 : i32
      %dma_wait3A_72 = tpu.memref_slice %arg2[%mul3A_2, %dma_wait3A_71] : memref<32768x1024xf32, #tpu.memory_space<hbm>> -> memref<16x1024xf32, #tpu.memory_space<hbm>>
      tpu.wait_dma2 semaphore(%arg10 : memref<!tpu.dma_semaphore, #tpu.memory_space<semaphore_mem>>) src(%dma_wait3A_72 : memref<16x1024xf32, #tpu.memory_space<hbm>>) dst(%arg8 : memref<16x1024xf32, #tpu.memory_space<vmem>>)
      %mul3A_73 = arith.constant 16 : i32
      %mul3A_74 = arith.muli %add3A_33, %mul3A_73 : i32
      %add3A_75 = arith.addi %mul3A_2, %mul3A_74 : i32
      %dma_start3A_76 = arith.constant 0 : i32
      %dma_start3A_77 = tpu.memref_slice %arg4[%add3A_75, %dma_start3A_76] : memref<32768x1024xf32, #tpu.memory_space<hbm>> -> memref<16x1024xf32, #tpu.memory_space<hbm>>
      %dma_start3A_78 = arith.constant 0 : i32
      %dma_start3A_79 = tpu.memref_slice %arg4[%add3A_75, %dma_start3A_78] : memref<32768x1024xf32, #tpu.memory_space<hbm>> -> memref<16x1024xf32, #tpu.memory_space<hbm>>
      tpu.enqueue_dma source(%arg7 : memref<16x1024xf32, #tpu.memory_space<vmem>>) target(%dma_start3A_79 : memref<16x1024xf32, #tpu.memory_space<hbm>>) target_semaphore(%arg12 : memref<!tpu.dma_semaphore, #tpu.memory_space<semaphore_mem>>)
      %lt3A = arith.constant 31 : i32
      %lt3A_80 = arith.cmpi slt, %scan3A_28, %lt3A : i32
      %convert_element_type3A_81 = arith.extui %lt3A_80 : i1 to i32
      %cond3A_82 = arith.constant 0 : i32
      %cond3A_83 = arith.cmpi ne, %convert_element_type3A_81, %cond3A_82 : i32
      scf.if %cond3A_83 {
        %dma_wait3A_85 = arith.constant 0 : i32
        %dma_wait3A_86 = tpu.memref_slice %arg4[%mul3A_2, %dma_wait3A_85] : memref<32768x1024xf32, #tpu.memory_space<hbm>> -> memref<16x1024xf32, #tpu.memory_space<hbm>>
        %dma_wait3A_87 = arith.constant 0 : i32
        %dma_wait3A_88 = tpu.memref_slice %arg4[%mul3A_2, %dma_wait3A_87] : memref<32768x1024xf32, #tpu.memory_space<hbm>> -> memref<16x1024xf32, #tpu.memory_space<hbm>>
        tpu.wait_dma2 semaphore(%arg11 : memref<!tpu.dma_semaphore, #tpu.memory_space<semaphore_mem>>) src(%arg5 : memref<16x1024xf32, #tpu.memory_space<vmem>>) dst(%dma_wait3A_88 : memref<16x1024xf32, #tpu.memory_space<hbm>>)
        %add3A_89 = arith.constant 2 : i32
        %add3A_90 = arith.addi %mul3A_31, %add3A_89 : i32
        %mul3A_91 = arith.constant 16 : i32
        %mul3A_92 = arith.muli %add3A_90, %mul3A_91 : i32
        %add3A_93 = arith.addi %mul3A_2, %mul3A_92 : i32
        %dma_start3A_94 = arith.constant 0 : i32
        %dma_start3A_95 = tpu.memref_slice %arg2[%add3A_93, %dma_start3A_94] : memref<32768x1024xf32, #tpu.memory_space<hbm>> -> memref<16x1024xf32, #tpu.memory_space<hbm>>
        %dma_start3A_96 = arith.constant 0 : i32
        %dma_start3A_97 = tpu.memref_slice %arg2[%add3A_93, %dma_start3A_96] : memref<32768x1024xf32, #tpu.memory_space<hbm>> -> memref<16x1024xf32, #tpu.memory_space<hbm>>
        tpu.enqueue_dma source(%dma_start3A_97 : memref<16x1024xf32, #tpu.memory_space<hbm>>) target(%arg5 : memref<16x1024xf32, #tpu.memory_space<vmem>>) target_semaphore(%arg9 : memref<!tpu.dma_semaphore, #tpu.memory_space<semaphore_mem>>)
        %mul3A_98 = arith.constant 16 : i32
        %mul3A_99 = arith.muli %add3A_90, %mul3A_98 : i32
        %add3A_100 = arith.addi %rem3A_3, %mul3A_99 : i32
        %dma_start3A_101 = arith.constant 0 : i32
        %dma_start3A_102 = tpu.memref_slice %arg3[%add3A_100, %dma_start3A_101] : memref<8192x1024xf32, #tpu.memory_space<hbm>> -> memref<16x1024xf32, #tpu.memory_space<hbm>>
        %dma_start3A_103 = arith.constant 0 : i32
        %dma_start3A_104 = tpu.memref_slice %arg3[%add3A_100, %dma_start3A_103] : memref<8192x1024xf32, #tpu.memory_space<hbm>> -> memref<16x1024xf32, #tpu.memory_space<hbm>>
        tpu.enqueue_dma source(%dma_start3A_104 : memref<16x1024xf32, #tpu.memory_space<hbm>>) target(%arg6 : memref<16x1024xf32, #tpu.memory_space<vmem>>) target_semaphore(%arg9 : memref<!tpu.dma_semaphore, #tpu.memory_space<semaphore_mem>>)
      } else {
      }
      %scan3A_84 = arith.constant 0 : i32
      scf.yield %scan3A_84 : i32
    }
    %scan3A_20 = arith.constant 32 : i32
    %dma_wait3A = arith.constant 0 : i32
    %dma_wait3A_21 = tpu.memref_slice %arg4[%mul3A_2, %dma_wait3A] : memref<32768x1024xf32, #tpu.memory_space<hbm>> -> memref<16x1024xf32, #tpu.memory_space<hbm>>
    %dma_wait3A_22 = arith.constant 0 : i32
    %dma_wait3A_23 = tpu.memref_slice %arg4[%mul3A_2, %dma_wait3A_22] : memref<32768x1024xf32, #tpu.memory_space<hbm>> -> memref<16x1024xf32, #tpu.memory_space<hbm>>
    tpu.wait_dma2 semaphore(%arg11 : memref<!tpu.dma_semaphore, #tpu.memory_space<semaphore_mem>>) src(%arg5 : memref<16x1024xf32, #tpu.memory_space<vmem>>) dst(%dma_wait3A_23 : memref<16x1024xf32, #tpu.memory_space<hbm>>)
    %dma_wait3A_24 = arith.constant 0 : i32
    %dma_wait3A_25 = tpu.memref_slice %arg4[%mul3A_2, %dma_wait3A_24] : memref<32768x1024xf32, #tpu.memory_space<hbm>> -> memref<16x1024xf32, #tpu.memory_space<hbm>>
    %dma_wait3A_26 = arith.constant 0 : i32
    %dma_wait3A_27 = tpu.memref_slice %arg4[%mul3A_2, %dma_wait3A_26] : memref<32768x1024xf32, #tpu.memory_space<hbm>> -> memref<16x1024xf32, #tpu.memory_space<hbm>>
    tpu.wait_dma2 semaphore(%arg12 : memref<!tpu.dma_semaphore, #tpu.memory_space<semaphore_mem>>) src(%arg7 : memref<16x1024xf32, #tpu.memory_space<vmem>>) dst(%dma_wait3A_27 : memref<16x1024xf32, #tpu.memory_space<hbm>>)
    return
  }
}

</mosaic_0001>

<sc_bundles>
// kernel: kernel.3.cloned.1.call-start
scs
__scs_entry_jumppad:
0x0: {  	(pc) =	sbr.rel $0x88, $3  }
0x1: {  	(tag) =	ssettag $0x0;
	lr =	simm.s32 $0x1  }
0x2: {  	[smem:$0x3F9F] =	sst lr;
	_ =	strace $0xD0000000  }
0x3: {  	_ = 	snop  }
0x4: {  	_ = 	snop  }
0x5: {  	_ = 	snop  }
0x6: {  	_ = 	snop  }
0x7: {  	_ = 	snop  }
__scs_overlays_trampoline_lowered:
0x8: {  	[smem:$0x3FAE] =	sst s0  }
0x9: {  	[smem:$0x3FAF] =	sst s1  }
0xa: {  	[smem:$0x3FB0] =	sst s2  }
0xb: {  	[smem:$0x3FB1] =	sst s3  }
0xc: {  	[smem:$0x3FB2] =	sst s4  }
0xd: {  	[smem:$0x3FB3] =	sst s5  }
0xe: {  	[smem:$0x3FB4] =	sst s6  }
0xf: {  	[smem:$0x3FB5] =	sst s7  }
0x10: {  	[smem:$0x3FB6] =	sst s8  }
0x11: {  	[smem:$0x3FB7] =	sst s9;
	s0 =	simm.s32 @!p0 $0x0  }
0x12: {  	s1 =	sld [smem:$0x3F9D];
	s0 =	simm.s32 @p0 $0x1  }
0x13: {  	[smem:$0x3FB8] =	sst s0;
	s0 =	simm.s32 @!p1 $0x0  }
0x14: {  	s2 =	sld [smem:$0x3F9C];
	s0 =	simm.s32 @p1 $0x1  }
0x15: {  	[smem:$0x3FB9] =	sst s0;
	s0 =	simm.s32 @!p2 $0x0  }
0x16: {  	s3 =	sld [smem:$0x3FDB];
	s0 =	simm.s32 @p2 $0x1  }
0x17: {  	s4 =	simm.s32 $0x1BF5;
	[smem:$0x3FBB] =	sst s0  }
0x18: {  	s0 =	sld [smem:$0x3F9E];
	_ =	swait.ge [sflag:s4], $0x0  }
0x19: {  	s7 =	sld [smem:$0x3F9F]  }
0x1a: {  	s8 =	sadd.s32 $0xFFFFE003, lr  }
0x1b: {  	s9 =	sadd.s32 $0xFFFFFEF7, lr;
	s5 =	simm.s32 $0xFFFFFFFF;
	p2 =	slt.u32 s8, $0xFFFFF086  }
0x1c: {  	p1 =	slt.u32 s9, $0xF7A;
	s5 =	simm.s32 @!p2 $0x0  }
0x1d: {  	s5 =	simm.s32 @p1 $0x1;
	p0 =	seq.s32 s7, s2  }
0x1e: {  	s7 =	smul.u32 @!p0 $0xF7A, s2;
	p2 =	seq.s32 @!p0 s5, $0x0  }
0x1f: {  	s9 =	smul.u32 $0xF7A, s1;
	s8 =	simm.s32 @!p0 $0x1BF5;
	p2 =	por !p2, p0  }
0x20: {  	[sflag:s8] =	ssyncset.s32 @!p0 $0xFFFFF086;
	s6 =	sadd.s32 @!p0 s3, s7;
	s7 =	simm.s32 @!p0 $0x108  }
0x21: {  	s3 =	sadd.s32 s3, s9;
	s6 =	sadd.s32 @!p0 $0x88, s6;
	s7 =	simm.s32 @p2 $0x1082  }
0x22: {  	[simem:s7], [sflag:s8] =	dma.local @!p0 [hbm:s6], $0xF7A  }
0x23: {  	s9 =	sor.u32 $0xD0000000, s2;
	s6 =	simm.s32 $0x108;
	_ =	swait.ge @!p0 [sflag:s8], $0x0  }
0x24: {  	s3 =	sadd.s32 $0x88, s3;
	s6 =	simm.s32 @!p1 $0x1082;
	[sflag:s4] =	ssyncset.s32 $0xFFFFF086  }
0x25: {  	[simem:s6], [sflag:s4] =	dma.local [hbm:s3], $0xF7A  }
0x26: {  	[smem:$0x3F9F] =	sst s1;
	(tag) =	ssettag s2;
	_ =	strace s9  }
0x27: {  	s1 =	sld [smem:$0x3FAF]  }
0x28: {  	s2 =	sld [smem:$0x3FB0]  }
0x29: {  	s4 =	sld [smem:$0x3FB2]  }
0x2a: {  	p0 =	seq.s32 s5, $0x0;
	s5 =	sld [smem:$0x3FB3]  }
0x2b: {  	s6 =	sld [smem:$0x3FB4]  }
0x2c: {  	s7 =	sld [smem:$0x3FB5]  }
0x2d: {  	s3 =	simm.s32 $0x108;
	s8 =	sld [smem:$0x3FB6]  }
0x2e: {  	s3 =	simm.s32 @!p0 $0x1082;
	s9 =	sld [smem:$0x3FB7]  }
0x2f: {  	lr =	sadd.s32 s0, s3;
	s0 =	sld [smem:$0x3FAE]  }
0x30: {  	s3 =	sld [smem:$0x3FB1]  }
0x31: {  	[smem:$0x3FBA] =	sst s10  }
0x32: {  	s10 =	sld [smem:$0x3FB8];
	_ =	sdelay $0x3  }
0x33: {  	p0 =	seq.s32 s10, $0x1;
	s10 =	sld [smem:$0x3FBA];
	_ =	sdelay $0x3  }
0x34: {  	[smem:$0x3FBA] =	sst s10  }
0x35: {  	s10 =	sld [smem:$0x3FB9];
	_ =	sdelay $0x3  }
0x36: {  	p1 =	seq.s32 s10, $0x1;
	s10 =	sld [smem:$0x3FBA];
	_ =	sdelay $0x3  }
0x37: {  	[smem:$0x3FBA] =	sst s10  }
0x38: {  	s10 =	sld [smem:$0x3FBB]  }
0x39: {  	_ = 	snop;
	(pc) =	sbr.ind lr, $3  }
0x3a: {  	_ = 	snop  }
0x3b: {  	_ = 	snop  }
0x3c: {  	p2 =	seq.s32 s10, $0x1;
	s10 =	sld [smem:$0x3FBA]  }
0x3d: {  	_ =	shalt  }
0x3e: {  	_ =	shalt  }
0x3f: {  	_ =	shalt  }
0x40: {  	_ =	shalt  }
0x41: {  	_ =	shalt  }
0x42: {  	_ =	shalt  }
0x43: {  	_ =	shalt  }
0x44: {  	_ =	shalt  }
0x45: {  	_ =	shalt  }
0x46: {  	_ =	shalt  }
0x47: {  	_ =	shalt  }
0x48: {  	_ =	shalt  }
0x49: {  	_ =	shalt  }
0x4a: {  	_ =	shalt  }
0x4b: {  	_ =	shalt  }
0x4c: {  	_ =	shalt  }
0x4d: {  	_ =	shalt  }
0x4e: {  	_ =	shalt  }
0x4f: {  	_ =	shalt  }
0x50: {  	_ =	shalt  }
0x51: {  	_ =	shalt  }
0x52: {  	_ =	shalt  }
0x53: {  	_ =	shalt  }
0x54: {  	_ =	shalt  }
0x55: {  	_ =	shalt  }
0x56: {  	_ =	shalt  }
0x57: {  	_ =	shalt  }
0x58: {  	_ =	shalt  }
0x59: {  	_ =	shalt  }
0x5a: {  	_ =	shalt  }
0x5b: {  	_ =	shalt  }
0x5c: {  	_ =	shalt  }
0x5d: {  	_ =	shalt  }
0x5e: {  	_ =	shalt  }
0x5f: {  	_ =	shalt  }
0x60: {  	_ =	shalt  }
0x61: {  	_ =	shalt  }
0x62: {  	_ =	shalt  }
0x63: {  	_ =	shalt  }
0x64: {  	_ =	shalt  }
0x65: {  	_ =	shalt  }
0x66: {  	_ =	shalt  }
0x67: {  	_ =	shalt  }
0x68: {  	_ =	shalt  }
0x69: {  	_ =	shalt  }
0x6a: {  	_ =	shalt  }
0x6b: {  	_ =	shalt  }
0x6c: {  	_ =	shalt  }
0x6d: {  	_ =	shalt  }
0x6e: {  	_ =	shalt  }
0x6f: {  	_ =	shalt  }
0x70: {  	_ =	shalt  }
0x71: {  	_ =	shalt  }
0x72: {  	_ =	shalt  }
0x73: {  	_ =	shalt  }
0x74: {  	_ =	shalt  }
0x75: {  	_ =	shalt  }
0x76: {  	_ =	shalt  }
0x77: {  	_ =	shalt  }
0x78: {  	_ =	shalt  }
0x79: {  	_ =	shalt  }
0x7a: {  	_ =	shalt  }
0x7b: {  	_ =	shalt  }
0x7c: {  	_ =	shalt  }
0x7d: {  	_ =	shalt  }
0x7e: {  	_ =	shalt  }
0x7f: {  	_ =	shalt  }
0x80: {  	_ =	shalt  }
0x81: {  	_ =	shalt  }
0x82: {  	_ =	shalt  }
0x83: {  	_ =	shalt  }
0x84: {  	_ =	shalt  }
0x85: {  	_ =	shalt  }
0x86: {  	_ =	shalt  }
0x87: {  	_ =	shalt  }
.Lfunc_end0:
.L_simem_size_0:
called_computation_lowered:
.L_overlay_start_0:
0x88: {  	s2 =	sld [smem:$0x3FD9]  }
0x89: {  	s3 =	sld [smem:$0x3FFE];
	_ =	sdelay $0x1  }
0x8a: {  	s1 =	srdreg.scid  }
0x8b: {  	s0 =	sand.u32 $0x1, s1  }
0x8c: {  	s18 =	sshll.u32 s0, $0xA;
	s2 =	sadd.s32 s3, s2  }
0x8d: {  	s2 =	sadd.s32 s2, s18  }
0x8e: {  	[smem:$0x3FC6] =	sst s2  }
0x8f: {  	_ = 	snop  }
0x90: {  	s2 =	sld [smem:$0x3FC9]  }
0x91: {  	s19 =	sld [smem:$0x3FC8]  }
0x92: {  	s4 =	sld [smem:$0x3FD0];
	(tm) =	ssettm $0x1  }
0x93: {  	s5 =	sld [smem:$0x3FFB];
	_ =	sdelay $0x3  }
0x94: {  	_ =	strace s5  }
0x95: {  	s5 =	sld [smem:$0x3FFC];
	_ =	sdelay $0x3  }
0x96: {  	_ =	strace s5  }
0x97: {  	s5 =	sld [smem:$0x3FFD];
	_ =	sdelay $0x3  }
0x98: {  	_ =	strace s5  }
0x99: {  	_ =	strace $0x8FFFFFFF  }
0x9a: {  	s20 =	sld [smem:$0x3FDB];
	_ =	sdelay $0x1  }
0x9b: {  	s6 =	simm.s32 $_scs_section_size  }
0x9c: {  	s7 =	simm.s32 $_size__tile_overlayer_lowered;
	s8 =	simm.s32 $_tile_overlayer_lowered  }
0x9d: {  	s23 =	simm.s32 $0x1BFF;
	s22 =	sshll.u32 s8, $0x1;
	s5 =	sadd.s32 s6, s20  }
0x9e: {  	s9 =	simm.s32 $0x0;
	s21 =	sshll.u32 s7, $0x1;
	s7 =	sadd.s32 s22, s5  }
0x9f: {  	[timem:s9], [sflag:s23] =	dma.local [hbm:s7], s21  }
0xa0: {  	_ =	swait.ge [sflag:s23], s21  }
0xa1: {  	s6 =	ssub.s32 $0x0, s21;
	[sflag:s23] =	ssyncset.done $0x0  }
0xa2: {  	[sflag:s23] =	ssyncadd.s32 s6;
	_ =	sdelay $0x1  }
0xa3: {  	s24 =	simm.s32 $0x1B8B  }
0xa4: {  	_ =	swait.ge [sflag:s24], $0x1  }
0xa5: {  	[sflag:s24] =	ssyncset.done $0x0  }
0xa6: {  	s25 =	simm.s32 $0x1B8E;
	[sflag:s24] =	ssyncadd.s32 $0xFFFFFFFF  }
0xa7: {  	s26 =	simm.s32 $execute0_lowered;
	[smem:$0x3FD2] =	sst s25  }
0xa8: {  	s6 =	sshll.u32 s26, $0x1;
	_ =	strace $0x80000046;
	[dreg:$0x1] =	wrdreg $0xFFFFFFFF  }
0xa9: {  	s28 =	simm.s32 $_size_execute0_lowered;
	s5 =	sadd.s32 s5, s6;
	[dreg:$0x0] =	wrdreg $0x0  }
0xaa: {  	s6 =	sshll.u32 s28, $0x1;
	[dreg:$0x2] =	wrdreg s5  }
0xab: {  	[dreg:$0x3] =	wrdreg s6  }
0xac: {  	[dreg:$0x4] =	wrdreg $0xC0  }
0xad: {  	_ =	task [dreg:s9], $0x5FFFF  }
0xae: {  	[dreg:$0x1] =	wrdreg $0xFFFFFFFF  }
0xaf: {  	[dreg:$0x0] =	wrdreg $0x60  }
0xb0: {  	[dreg:$0x2] =	wrdreg s2  }
0xb1: {  	[dreg:$0x3] =	wrdreg s19  }
0xb2: {  	[dreg:$0x4] =	wrdreg s4  }
0xb3: {  	[dreg:$0x5] =	wrdreg $0x9  }
0xb4: {  	_ =	task.clear_ibuf [dreg:s9], $0x6FFFF;
	_ =	strace $0x90000046  }
0xb5: {  	s29 =	simm.s32 $0x9;
	_ =	strace $0x80000048  }
0xb6: {  	_ =	swait.ge [sflag:s29], $0x1  }
0xb7: {  	[sflag:s29] =	ssyncadd.s32 $0xFFFFFFFF  }
0xb8: {  	_ =	strace $0x90000048  }
0xb9: {  	_ =	sfence  }
0xba: {  	s30 =	sld [smem:$0x0];
	_ =	sdelay $0x2  }
0xbb: {  	s31 =	sshll.u32 s1, $0xD;
	s1 =	sshrl.u32 s1, $0x2  }
0xbc: {  	s3 =	sand.u32 $0x4000, s31;
	s1 =	sadd.s32 s1, s30  }
0xbd: {  	s0 =	sor.u32 s3, s0;
	s1 =	sshll.u32 s1, $0x11  }
0xbe: {  	s0 =	sor.u32 s1, s0  }
0xbf: {  	s0 =	sadd.s32 $0x8F2B, s0  }
0xc0: {  	[sflag:s0] =	ssyncadd.remote.s32 $0x1  }
0xc1: {  	_ =	sfence.sel $0xFFFF  }
0xc2: {  	[dreg:$0x0] =	wrdreg $0xFFFFFFFF;
	(pc) =	sbr.abs _section_cstart, $3  }
0xc3: {  	[dreg:$0x1] =	wrdreg $0xFFFFFFFF  }
0xc4: {  	_ =	task.clear_ibuf [dreg:s9], $0x2FFFF;
	_ =	strace $0x9FFFFFFF  }
0xc5: {  	(tm) =	ssettm $0x7FFFFFFF  }
tec
execute0_lowered:
.L_overlay_start_1:
0x0: {  	(tag) =	ssettag $0x1  }
0x1: {  	s14 =	rddreg [dreg:$0x0]  }
0x2: {  	s13 =	rddreg [dreg:$0x1]  }
0x3: {  	s12 =	rddreg [dreg:$0x2];
	s2 =	srdreg.scid  }
0x4: {  	s0 =	rddreg [dreg:$0x3];
	s1 =	stileid.u32;
	s18 =	simm.s32 $0x1  }
0x5: {  	s19 =	simm.s32 $0x2;
	s20 =	simm.s32 $0x3;
	s21 =	simm.s32 $0x4  }
0x6: {  	s22 =	simm.s32 $0x0;
	s15 =	sand.u32 $0x1, s2;
	s2 =	simm.s32 $0x0  }
0x7: {  	s3 =	sshll.u32 s1, $0xB;
	s17 =	sshll.u32 s1, $0x12;
	s4 =	sshll.u32 s15, $0xA  }
0x8: {  	[smem:$0x7FF] =	sst s2;
	s31 =	ssub.s32 $0x2, s15;
	s15 =	sshll.u32 s15, $0x11  }
0x9: {  	s3 =	sor.u32 s4, s3;
	_ =	strace $0x80000047;
	s6 =	sshrl.u32 s31, $0x1  }
0xa: {  	s5 =	sand.u32 $0x1C00, s3;
	s16 =	sshll.u32 s3, $0x7;
	s6 =	ssub.s32 s31, s6  }
0xb: {  	s5 =	sshll.u32 s5, $0x7;
	s3 =	sadd.s32 s14, s16;
	s6 =	smax.u32 s6, $0x1  }
0xc: {  	s9 =	sor.u32 $0x800, s16;
	s4 =	sadd.s32 s13, s5;
	s5 =	sadd.s32 s12, s16  }
.Ltmp0:
0xd: {  	s7 =	sadd.s32 s14, s9;
	s9 =	sadd.s32 s12, s9;
	(pc) =	sbr.rel .LBB2_1-.Ltmp0, $4  }
0xe: {  	s10 =	sadd.s32 $0x1000, s3;
	s12 =	sadd.s32 s17, s12;
	s16 =	sand.u32 $0xE0000, s16  }
0xf: {  	s14 =	sadd.s32 s17, s14;
	s17 =	simm.s32 $0xC000;
	s8 =	sadd.s32 $0x800, s4  }
0x10: {  	s11 =	sadd.s32 $0x1000, s4;
	s12 =	sadd.s32 s15, s12;
	s13 =	sadd.s32 s16, s13  }
0x11: {  	s14 =	sadd.s32 s15, s14;
	s15 =	simm.s32 $0x4000;
	s16 =	simm.s32 $0x8000  }
.LBB2_4:
0x12: {  	s22 =	sadd.s32 $0x1, s22  }
0x13: {  	p0 =	sne.s32 s22, s6  }
.Ltmp1:
0x14: {  	_ = 	snop;
	(pc) =	sbr.rel @!p0 .LBB2_5-.Ltmp1, $4  }
0x15: {  	_ = 	snop  }
0x16: {  	_ =	swait.ge [sflag:s21], $0x4000  }
0x17: {  	[sflag:s21] =	ssyncset.done $0x0  }
0x18: {  	[sflag:s21] =	ssyncadd.s32 $0xFFFFC000  }
.LBB2_1:
0x19: {  	[tilespmem:s2], [sflag:$0x1] =	stream.linear.gather [hbm4b:s3+s2], $0x4000, $0x38;
	[tilespmem:$0x10000] =	vst v63  }
0x1a: {  	_ = 	snop  }
0x1b: {  	[tilespmem:s15], [sflag:$0x1] =	stream.linear.gather [hbm4b:s4+s2], $0x4000, $0x38;
	[tilespmem:$0x10000] =	vst v63  }
0x1c: {  	_ = 	snop  }
0x1d: {  	[tilespmem:s16], [sflag:$0x2] =	stream.linear.gather [hbm4b:s7+s2], $0x4000, $0x38;
	[tilespmem:$0x10000] =	vst v63  }
0x1e: {  	_ = 	snop  }
0x1f: {  	[tilespmem:s17], [sflag:$0x2] =	stream.linear.gather [hbm4b:s8+s2], $0x4000, $0x38;
	[tilespmem:$0x10000] =	vst v63  }
0x20: {  	_ =	swait.ge [sflag:s18], $0x4000  }
0x21: {  	[sflag:s18] =	ssyncset.done $0x0  }
0x22: {  	[sflag:s18] =	ssyncadd.s32 $0xFFFFC000  }
0x23: {  	_ =	swait.ge [sflag:s18], $0x4000  }
0x24: {  	[sflag:s18] =	ssyncset.done $0x0  }
0x25: {  	[sflag:s18] =	ssyncadd.s32 $0xFFFFC000  }
0x26: {  	[hbm4b:s5+s2] =	stream.linear.scatter [tilespmem:s2], [sflag:$0x3], $0x4000, $0x38;
	[tilespmem:$0x10000] =	vst v63  }
0x27: {  	_ =	swait.ge [sflag:s19], $0x4000  }
0x28: {  	[sflag:s19] =	ssyncset.done $0x0  }
0x29: {  	[sflag:s19] =	ssyncadd.s32 $0xFFFFC000  }
0x2a: {  	_ =	swait.ge [sflag:s19], $0x4000  }
0x2b: {  	[sflag:s19] =	ssyncset.done $0x0  }
0x2c: {  	[sflag:s19] =	ssyncadd.s32 $0xFFFFC000  }
0x2d: {  	[hbm4b:s9+s2] =	stream.linear.scatter [tilespmem:s16], [sflag:$0x4], $0x4000, $0x38;
	[tilespmem:$0x10000] =	vst v63  }
0x2e: {  	_ =	swait.ge [sflag:s20], $0x4000  }
0x2f: {  	[sflag:s20] =	ssyncset.done $0x0  }
0x30: {  	[sflag:s20] =	ssyncadd.s32 $0xFFFFC000  }
0x31: {  	[tilespmem:s2], [sflag:$0x1] =	stream.linear.gather [hbm4b:s10+s2], $0x4000, $0x38;
	[tilespmem:$0x10000] =	vst v63  }
0x32: {  	s23 =	simm.s32 $0x0  }
0x33: {  	[tilespmem:s15], [sflag:$0x1] =	stream.linear.gather [hbm4b:s11+s2], $0x4000, $0x38;
	[tilespmem:$0x10000] =	vst v63  }
.LBB2_2:
0x34: {  	_ =	swait.ge [sflag:s21], $0x4000  }
0x35: {  	s24 =	sadd.s32 s23, s14;
	[sflag:s21] =	ssyncset.done $0x0  }
0x36: {  	s25 =	sadd.s32 $0x1800, s24;
	[sflag:s21] =	ssyncadd.s32 $0xFFFFC000  }
0x37: {  	[tilespmem:s16], [sflag:$0x2] =	stream.linear.gather [hbm4b:s25+s2], $0x4000, $0x38;
	[tilespmem:$0x10000] =	vst v63  }
0x38: {  	s25 =	sadd.s32 s23, s13  }
0x39: {  	s26 =	sadd.s32 $0x1800, s25  }
0x3a: {  	[tilespmem:s17], [sflag:$0x2] =	stream.linear.gather [hbm4b:s26+s2], $0x4000, $0x38;
	[tilespmem:$0x10000] =	vst v63  }
0x3b: {  	_ =	swait.ge [sflag:s18], $0x4000  }
0x3c: {  	[sflag:s18] =	ssyncset.done $0x0  }
0x3d: {  	[sflag:s18] =	ssyncadd.s32 $0xFFFFC000  }
0x3e: {  	_ =	swait.ge [sflag:s18], $0x4000  }
0x3f: {  	s31 =	sadd.s32 s23, s12;
	[sflag:s18] =	ssyncset.done $0x0  }
0x40: {  	s28 =	sadd.s32 $0x1000, s31;
	[sflag:s18] =	ssyncadd.s32 $0xFFFFC000  }
0x41: {  	[hbm4b:s28+s2] =	stream.linear.scatter [tilespmem:s2], [sflag:$0x3], $0x4000, $0x38;
	[tilespmem:$0x10000] =	vst v63  }
0x42: {  	_ =	swait.ge [sflag:s19], $0x4000  }
0x43: {  	[sflag:s19] =	ssyncset.done $0x0  }
0x44: {  	[sflag:s19] =	ssyncadd.s32 $0xFFFFC000  }
0x45: {  	_ =	swait.ge [sflag:s19], $0x4000  }
0x46: {  	p0 =	seq.s32 s23, $0x1E000;
	[sflag:s19] =	ssyncset.done $0x0  }
.Ltmp2:
0x47: {  	s26 =	sadd.s32 $0x1800, s31;
	[sflag:s19] =	ssyncadd.s32 $0xFFFFC000;
	(pc) =	sbr.rel @p0 .LBB2_4-.Ltmp2, $4  }
0x48: {  	[hbm4b:s26+s2] =	stream.linear.scatter [tilespmem:s16], [sflag:$0x4], $0x4000, $0x38;
	[tilespmem:$0x10000] =	vst v63  }
0x49: {  	_ =	swait.ge [sflag:s20], $0x4000  }
0x4a: {  	[sflag:s20] =	ssyncset.done $0x0  }
0x4b: {  	[sflag:s20] =	ssyncadd.s32 $0xFFFFC000  }
.Ltmp3:
0x4c: {  	(pc) =	sbr.rel .LBB2_2-.Ltmp3, $4  }
0x4d: {  	s24 =	sadd.s32 $0x2000, s24  }
0x4e: {  	[tilespmem:s2], [sflag:$0x1] =	stream.linear.gather [hbm4b:s24+s2], $0x4000, $0x38;
	[tilespmem:$0x10000] =	vst v63  }
0x4f: {  	s31 =	sadd.s32 $0x2000, s25;
	s23 =	sadd.s32 $0x1000, s23  }
0x50: {  	[tilespmem:s15], [sflag:$0x1] =	stream.linear.gather [hbm4b:s31+s2], $0x4000, $0x38;
	[tilespmem:$0x10000] =	vst v63  }
.LBB2_5:
0x51: {  	_ =	sfence.sel $0x180000  }
0x52: {  	[bflag:$0x0] =	sbarrier.arrive $0xFFFF  }
0x53: {  	p0 =	sne.s32 s1, $0x0;
	_ =	strace $0x90000047  }
0x54: {  	s0 =	sadd.s32 @!p0 $0x100000, s0;
	[bflag:$0x2] =	sbarrier.arrive $0xFFFF  }
0x55: {  	[sflag:s0] =	ssyncadd.tile.s32 @!p0 $0x1;
	_ =	shalt  }
.Lfunc_end2:
_tile_overlayer_lowered:
.L_overlay_start_2:
0x56: {  	(tag) =	ssettag $0x2  }
0x57: {  	s0 =	rddreg [dreg:$0x0];
	s2 =	stileid.u32  }
0x58: {  	s1 =	rddreg [dreg:$0x1];
	p0 =	sne.s32 s2, $0x0  }
0x59: {  	s3 =	rddreg [dreg:$0x2];
	[bflag:$0x3] =	sbarrier.arrive $0xFFFF;
	s2 =	simm.s32 @!p0 $0x1C05  }
0x5a: {  	[timem:s3], [sflag:s2] =	dma.local @!p0 [hbm:s0], s1  }
0x5b: {  	s0 =	simm.s32 @!p0 $0x5  }
0x5c: {  	_ =	swait.ge @!p0 [sflag:s0], s1  }
0x5d: {  	s1 =	ssub.s32 @!p0 $0x0, s1;
	[sflag:s0] =	ssyncset.done @!p0 $0x0  }
0x5e: {  	[sflag:s0] =	ssyncadd.s32 @!p0 s1  }
0x5f: {  	[bflag:$0x3] =	sbarrier.arrive $0xFFFF  }
0x60: {  	_ =	shalt  }

</sc_bundles>
